<compile_context>
chip_gen: v7x
topology: tpu7x:2x2x1
jax: 0.10.2.dev20260603
libtpu: 0.0.44.dev20260713+nightly
codegen_flags: <defaults>
</compile_context>

<pallas_src>
import functools

import jax
import jax.numpy as jnp
from jax import lax
from jax.experimental import pallas as pl
from jax.experimental.pallas import tpu as pltpu
from jax.experimental.pallas import tpu_sc as plsc

N_ROWS = 100000
BM = 2000
EMB = 128
FEAT = 1024

_NC, _NS = 2, 16
_NW = _NC * _NS
_CHUNK = 200
_NCHUNKS = N_ROWS // _CHUNK


def _tc_body(raw_ref, i_ref, w_ref, b_ref, io_ref):
    io_ref[:, :EMB] = i_ref[...]
    proj = jnp.dot(raw_ref[...], w_ref[...], preferred_element_type=jnp.float32)
    io_ref[:, EMB:] = proj + b_ref[...]


def _sc_copy_body(u_hbm, out_hbm, buf):
    wid = lax.axis_index("s") * _NC + lax.axis_index("c")
    n_full, rem = divmod(_NCHUNKS, _NW)
    n_mine = jnp.where(wid < rem, n_full + 1, n_full)

    def body(t, carry):
        base = (wid + _NW * t) * _CHUNK
        pltpu.sync_copy(u_hbm.at[pl.ds(base, _CHUNK)], buf)
        pltpu.sync_copy(buf, out_hbm.at[pl.ds(base, _CHUNK)])
        return carry

    lax.fori_loop(0, n_mine, body, 0)


_sc_copy = functools.partial(
    pl.kernel,
    mesh=plsc.VectorSubcoreMesh(core_axis_name="c", subcore_axis_name="s"),
    out_type=jax.ShapeDtypeStruct((N_ROWS, 2 * EMB), jnp.float32),
    scratch_types=[pltpu.VMEM((_CHUNK, 2 * EMB), jnp.float32)],
)(_sc_copy_body)


def kernel(item_raw_features, u_embedding, i_embedding, W, b):
    b2 = b.reshape(1, EMB)
    item_e = pl.pallas_call(
        _tc_body,
        grid=(N_ROWS // BM,),
        in_specs=[
            pl.BlockSpec((BM, FEAT), lambda i: (i, 0)),
            pl.BlockSpec((BM, EMB), lambda i: (i, 0)),
            pl.BlockSpec((FEAT, EMB), lambda i: (0, 0)),
            pl.BlockSpec((1, EMB), lambda i: (0, 0)),
        ],
        out_specs=pl.BlockSpec((BM, 2 * EMB), lambda i: (i, 0)),
        out_shape=jax.ShapeDtypeStruct((N_ROWS, 2 * EMB), jnp.float32),
        compiler_params=pltpu.CompilerParams(
            dimension_semantics=("arbitrary",),
        ),
    )(item_raw_features, i_embedding, W, b2)
    user_e = _sc_copy(u_embedding)
    return (user_e, item_e)

# --- scband reference (transcript-rebuilt; emitter-appended) ---
"""Pipeline reference for scband-vbpr-64982855188775 (READ-ONLY COPY).

The authoritative reference and input builder live on the scoring server;
editing this copy changes nothing except your own understanding.
"""

import jax, jax.numpy as jnp
import numpy as np

N_USERS = 100000
N_ITEMS = 100000
EMB = 128
FEAT = 1024

def setup_inputs(seed: int = 0) -> dict:
    key = jax.random.key(seed)
    k1, k2, k3, k4, k5 = jax.random.split(key, 5)
    item_raw_features = jax.random.normal(k1, (N_ITEMS, FEAT), dtype=jnp.float32)
    # xavier_uniform-style init for parameters
    lim_u = float(np.sqrt(6.0 / (N_USERS + 2 * EMB)))
    u_embedding = jax.random.uniform(k2, (N_USERS, 2 * EMB), dtype=jnp.float32, minval=-lim_u, maxval=lim_u)
    lim_i = float(np.sqrt(6.0 / (N_ITEMS + EMB)))
    i_embedding = jax.random.uniform(k3, (N_ITEMS, EMB), dtype=jnp.float32, minval=-lim_i, maxval=lim_i)
    lim_w = float(np.sqrt(6.0 / (FEAT + EMB)))
    W = jax.random.uniform(k4, (FEAT, EMB), dtype=jnp.float32, minval=-lim_w, maxval=lim_w)
    b = jnp.zeros((EMB,), dtype=jnp.float32)
    return {"item_raw_features": item_raw_features, "u_embedding": u_embedding, "i_embedding": i_embedding, "W": W, "b": b}

def reference(item_raw_features, u_embedding, i_embedding, W, b):
    # item_linear: Linear(feat_dim -> embedding_size)
    item_embeddings = item_raw_features @ W + b
    # concat static id embedding with projected feature embedding
    item_e = jnp.concatenate([i_embedding, item_embeddings], axis=1)
    # dropout=0.0 -> identity
    user_e = u_embedding
    return (user_e, item_e)

if __name__ == "__main__":
    import jax
    _d = setup_inputs()
    print(jax.jit(kernel)(*tuple(_d.values())))

</pallas_src>

<mosaic_0001>
#map = affine_map<(d0, d1) -> (0, 0)>
module attributes {stable_mosaic.version = 14 : i64} {
  func.func @_sc_copy_body(%arg0: i32, %arg1: i32, %arg2: memref<100000x256xf32, #tpu.memory_space<hbm>>, %arg3: memref<100000x256xf32, #tpu.memory_space<hbm>>, %arg4: memref<200x256xf32, #tpu.memory_space<vmem>>) attributes {dimension_semantics = [#tpu.dimension_semantics<core_parallel>, #tpu.dimension_semantics<subcore_parallel>], iteration_bounds = array<i64: 2, 16>, scalar_prefetch = 0 : i64, scratch_operands = 1 : i64, tpu.core_type = #tpu.core_type<sc_vector_subcore>, window_params = [{transform_indices = #map}, {transform_indices = #map}]} {
    %mul3A = arith.constant 2 : i32
    %mul3A_0 = arith.muli %arg1, %mul3A : i32
    %add3A = arith.addi %mul3A_0, %arg0 : i32
    %lt3A = arith.constant 20 : i32
    %lt3A_1 = arith.cmpi slt, %add3A, %lt3A : i32
    %jit3A = arith.constant 16 : i32
    %jit3A_2 = arith.constant 15 : i32
    %select_n3A = arith.select %lt3A_1, %jit3A, %jit3A_2 : i32
    %while3A = arith.constant 0 : i32
    %while3A_3 = arith.constant 0 : i32
    %while3A_4 = arith.subi %select_n3A, %while3A_3 : i32
    %while3A_5 = arith.addi %while3A_3, %while3A_4 : i32
    %while3A_6 = arith.constant 1 : i32
    %while3A_7 = arith.divsi %while3A_4, %while3A_6 : i32
    %while3A_8 = arith.muli %while3A_7, %while3A_6 : i32
    %while3A_9 = arith.addi %while3A_3, %while3A_8 : i32
    %while3A_10 = arith.constant 1 : i32
    scf.for %while3A_12 = %while3A_3 to %while3A_9 step %while3A_10  : i32 {
      %mul3A_13 = arith.constant 32 : i32
      %mul3A_14 = arith.muli %mul3A_13, %while3A_12 : i32
      %add3A_15 = arith.addi %add3A, %mul3A_14 : i32
      %mul3A_16 = arith.constant 200 : i32
      %mul3A_17 = arith.muli %add3A_15, %mul3A_16 : i32
      "tpu.region"() ({
        %run_scoped3A = tpu.sem_alloc : memref<!tpu.dma_semaphore, #tpu.memory_space<semaphore_mem>>
        %dma_start3A = arith.constant 0 : i32
        %dma_start3A_18 = tpu.memref_slice %arg2[%mul3A_17, %dma_start3A] : memref<100000x256xf32, #tpu.memory_space<hbm>> -> memref<200x256xf32, #tpu.memory_space<hbm>>
        %dma_start3A_19 = arith.constant 0 : i32
        %dma_start3A_20 = tpu.memref_slice %arg2[%mul3A_17, %dma_start3A_19] : memref<100000x256xf32, #tpu.memory_space<hbm>> -> memref<200x256xf32, #tpu.memory_space<hbm>>
        tpu.enqueue_dma source(%dma_start3A_20 : memref<200x256xf32, #tpu.memory_space<hbm>>) target(%arg4 : memref<200x256xf32, #tpu.memory_space<vmem>>) target_semaphore(%run_scoped3A : memref<!tpu.dma_semaphore, #tpu.memory_space<semaphore_mem>>)
        %dma_wait3A = arith.constant 0 : i32
        %dma_wait3A_21 = tpu.memref_slice %arg2[%mul3A_17, %dma_wait3A] : memref<100000x256xf32, #tpu.memory_space<hbm>> -> memref<200x256xf32, #tpu.memory_space<hbm>>
        %dma_wait3A_22 = arith.constant 0 : i32
        %dma_wait3A_23 = tpu.memref_slice %arg2[%mul3A_17, %dma_wait3A_22] : memref<100000x256xf32, #tpu.memory_space<hbm>> -> memref<200x256xf32, #tpu.memory_space<hbm>>
        tpu.wait_dma2 semaphore(%run_scoped3A : memref<!tpu.dma_semaphore, #tpu.memory_space<semaphore_mem>>) src(%dma_wait3A_23 : memref<200x256xf32, #tpu.memory_space<hbm>>) dst(%arg4 : memref<200x256xf32, #tpu.memory_space<vmem>>)
        tpu.yield
      }) : () -> ()
      "tpu.region"() ({
        %run_scoped3A = tpu.sem_alloc : memref<!tpu.dma_semaphore, #tpu.memory_space<semaphore_mem>>
        %dma_start3A = arith.constant 0 : i32
        %dma_start3A_18 = tpu.memref_slice %arg3[%mul3A_17, %dma_start3A] : memref<100000x256xf32, #tpu.memory_space<hbm>> -> memref<200x256xf32, #tpu.memory_space<hbm>>
        %dma_start3A_19 = arith.constant 0 : i32
        %dma_start3A_20 = tpu.memref_slice %arg3[%mul3A_17, %dma_start3A_19] : memref<100000x256xf32, #tpu.memory_space<hbm>> -> memref<200x256xf32, #tpu.memory_space<hbm>>
        tpu.enqueue_dma source(%arg4 : memref<200x256xf32, #tpu.memory_space<vmem>>) target(%dma_start3A_20 : memref<200x256xf32, #tpu.memory_space<hbm>>) target_semaphore(%run_scoped3A : memref<!tpu.dma_semaphore, #tpu.memory_space<semaphore_mem>>)
        %dma_wait3A = arith.constant 0 : i32
        %dma_wait3A_21 = tpu.memref_slice %arg3[%mul3A_17, %dma_wait3A] : memref<100000x256xf32, #tpu.memory_space<hbm>> -> memref<200x256xf32, #tpu.memory_space<hbm>>
        %dma_wait3A_22 = arith.constant 0 : i32
        %dma_wait3A_23 = tpu.memref_slice %arg3[%mul3A_17, %dma_wait3A_22] : memref<100000x256xf32, #tpu.memory_space<hbm>> -> memref<200x256xf32, #tpu.memory_space<hbm>>
        tpu.wait_dma2 semaphore(%run_scoped3A : memref<!tpu.dma_semaphore, #tpu.memory_space<semaphore_mem>>) src(%arg4 : memref<200x256xf32, #tpu.memory_space<vmem>>) dst(%dma_wait3A_23 : memref<200x256xf32, #tpu.memory_space<hbm>>)
        tpu.yield
      }) : () -> ()
    }
    %while3A_11 = arith.constant 1 : i32
    scf.for %while3A_12 = %while3A_9 to %while3A_5 step %while3A_11  : i32 {
      %mul3A_13 = arith.constant 32 : i32
      %mul3A_14 = arith.muli %mul3A_13, %while3A_12 : i32
      %add3A_15 = arith.addi %add3A, %mul3A_14 : i32
      %mul3A_16 = arith.constant 200 : i32
      %mul3A_17 = arith.muli %add3A_15, %mul3A_16 : i32
      "tpu.region"() ({
        %run_scoped3A = tpu.sem_alloc : memref<!tpu.dma_semaphore, #tpu.memory_space<semaphore_mem>>
        %dma_start3A = arith.constant 0 : i32
        %dma_start3A_18 = tpu.memref_slice %arg2[%mul3A_17, %dma_start3A] : memref<100000x256xf32, #tpu.memory_space<hbm>> -> memref<200x256xf32, #tpu.memory_space<hbm>>
        %dma_start3A_19 = arith.constant 0 : i32
        %dma_start3A_20 = tpu.memref_slice %arg2[%mul3A_17, %dma_start3A_19] : memref<100000x256xf32, #tpu.memory_space<hbm>> -> memref<200x256xf32, #tpu.memory_space<hbm>>
        tpu.enqueue_dma source(%dma_start3A_20 : memref<200x256xf32, #tpu.memory_space<hbm>>) target(%arg4 : memref<200x256xf32, #tpu.memory_space<vmem>>) target_semaphore(%run_scoped3A : memref<!tpu.dma_semaphore, #tpu.memory_space<semaphore_mem>>)
        %dma_wait3A = arith.constant 0 : i32
        %dma_wait3A_21 = tpu.memref_slice %arg2[%mul3A_17, %dma_wait3A] : memref<100000x256xf32, #tpu.memory_space<hbm>> -> memref<200x256xf32, #tpu.memory_space<hbm>>
        %dma_wait3A_22 = arith.constant 0 : i32
        %dma_wait3A_23 = tpu.memref_slice %arg2[%mul3A_17, %dma_wait3A_22] : memref<100000x256xf32, #tpu.memory_space<hbm>> -> memref<200x256xf32, #tpu.memory_space<hbm>>
        tpu.wait_dma2 semaphore(%run_scoped3A : memref<!tpu.dma_semaphore, #tpu.memory_space<semaphore_mem>>) src(%dma_wait3A_23 : memref<200x256xf32, #tpu.memory_space<hbm>>) dst(%arg4 : memref<200x256xf32, #tpu.memory_space<vmem>>)
        tpu.yield
      }) : () -> ()
      "tpu.region"() ({
        %run_scoped3A = tpu.sem_alloc : memref<!tpu.dma_semaphore, #tpu.memory_space<semaphore_mem>>
        %dma_start3A = arith.constant 0 : i32
        %dma_start3A_18 = tpu.memref_slice %arg3[%mul3A_17, %dma_start3A] : memref<100000x256xf32, #tpu.memory_space<hbm>> -> memref<200x256xf32, #tpu.memory_space<hbm>>
        %dma_start3A_19 = arith.constant 0 : i32
        %dma_start3A_20 = tpu.memref_slice %arg3[%mul3A_17, %dma_start3A_19] : memref<100000x256xf32, #tpu.memory_space<hbm>> -> memref<200x256xf32, #tpu.memory_space<hbm>>
        tpu.enqueue_dma source(%arg4 : memref<200x256xf32, #tpu.memory_space<vmem>>) target(%dma_start3A_20 : memref<200x256xf32, #tpu.memory_space<hbm>>) target_semaphore(%run_scoped3A : memref<!tpu.dma_semaphore, #tpu.memory_space<semaphore_mem>>)
        %dma_wait3A = arith.constant 0 : i32
        %dma_wait3A_21 = tpu.memref_slice %arg3[%mul3A_17, %dma_wait3A] : memref<100000x256xf32, #tpu.memory_space<hbm>> -> memref<200x256xf32, #tpu.memory_space<hbm>>
        %dma_wait3A_22 = arith.constant 0 : i32
        %dma_wait3A_23 = tpu.memref_slice %arg3[%mul3A_17, %dma_wait3A_22] : memref<100000x256xf32, #tpu.memory_space<hbm>> -> memref<200x256xf32, #tpu.memory_space<hbm>>
        tpu.wait_dma2 semaphore(%run_scoped3A : memref<!tpu.dma_semaphore, #tpu.memory_space<semaphore_mem>>) src(%arg4 : memref<200x256xf32, #tpu.memory_space<vmem>>) dst(%dma_wait3A_23 : memref<200x256xf32, #tpu.memory_space<hbm>>)
        tpu.yield
      }) : () -> ()
    }
    return
  }
}

module attributes {stable_mosaic.version = 14 : i64} {
  func.func @_tc_body(%arg0: i32, %arg1: memref<2000x1024xf32, #tpu.memory_space<vmem>>, %arg2: memref<2000x128xf32, #tpu.memory_space<vmem>>, %arg3: memref<1024x128xf32, #tpu.memory_space<vmem>>, %arg4: memref<1x128xf32, #tpu.memory_space<vmem>>, %arg5: memref<2000x256xf32, #tpu.memory_space<vmem>>) attributes {dimension_semantics = [#tpu.dimension_semantics<arbitrary>], iteration_bounds = array<i64: 50>, scalar_prefetch = 0 : i64, scratch_operands = 0 : i64, tpu.core_type = #tpu.core_type<tc>, window_params = [{transform_indices = @transform_0, window_bounds = array<i64: 2000, 1024>}, {transform_indices = @transform_1, window_bounds = array<i64: 2000, 128>}, {pipeline_mode = #tpu.pipeline_mode<synchronous>, transform_indices = @transform_2, window_bounds = array<i64: 1024, 128>}, {pipeline_mode = #tpu.pipeline_mode<synchronous>, transform_indices = @transform_3, window_bounds = array<i64: 1, 128>}, {transform_indices = @transform_4, window_bounds = array<i64: 2000, 256>}]} {
    %get3A = arith.constant 0 : index
    %get3A_0 = arith.constant 0 : index
    %get3A_1 = vector.load %arg2[%get3A, %get3A_0] : memref<2000x128xf32, #tpu.memory_space<vmem>>, vector<2000x128xf32>
    %swap3A = arith.constant 0 : index
    %swap3A_2 = arith.constant 0 : index
    %swap3A_3 = vector.load %arg5[%swap3A, %swap3A_2] : memref<2000x256xf32, #tpu.memory_space<vmem>>, vector<2000x128xf32>
    tpu.vector_store %arg5[%swap3A, %swap3A_2], %get3A_1 {strides = array<i32>} : memref<2000x256xf32, #tpu.memory_space<vmem>>, vector<2000x128xf32>,
    %get3A_4 = arith.constant 0 : index
    %get3A_5 = arith.constant 0 : index
    %get3A_6 = vector.load %arg1[%get3A_4, %get3A_5] : memref<2000x1024xf32, #tpu.memory_space<vmem>>, vector<2000x1024xf32>
    %get3A_7 = arith.constant 0 : index
    %get3A_8 = arith.constant 0 : index
    %get3A_9 = vector.load %arg3[%get3A_7, %get3A_8] : memref<1024x128xf32, #tpu.memory_space<vmem>>, vector<1024x128xf32>
    %dot_general3A = arith.constant dense<0.000000e+00> : vector<2000x128xf32>
    %dot_general3A_10 = tpu.matmul %get3A_6, %get3A_9, %dot_general3A {dimension_numbers = #tpu.dot_dimension_numbers<[1], [0], [0], [1], [0, 0, 1, 1], [], []>, transpose_lhs_hint = false} : vector<2000x1024xf32>, vector<1024x128xf32>, vector<2000x128xf32> -> vector<2000x128xf32>
    %get3A_11 = arith.constant 0 : index
    %get3A_12 = arith.constant 0 : index
    %get3A_13 = vector.load %arg4[%get3A_11, %get3A_12] : memref<1x128xf32, #tpu.memory_space<vmem>>, vector<1x128xf32>
    %add3A = vector.broadcast %get3A_13 : vector<1x128xf32> to vector<2000x128xf32>
    %add3A_14 = arith.addf %dot_general3A_10, %add3A : vector<2000x128xf32>
    %swap3A_15 = arith.constant 0 : index
    %swap3A_16 = arith.constant 128 : index
    %swap3A_17 = vector.load %arg5[%swap3A_15, %swap3A_16] : memref<2000x256xf32, #tpu.memory_space<vmem>>, vector<2000x128xf32>
    tpu.vector_store %arg5[%swap3A_15, %swap3A_16], %add3A_14 {strides = array<i32>} : memref<2000x256xf32, #tpu.memory_space<vmem>>, vector<2000x128xf32>,
    return
  }
  func.func @transform_0(%arg0: i32) -> (i32, i32) {
    %c0_i32 = arith.constant 0 : i32
    %c0_i32_0 = arith.constant 0 : i32
    return %arg0, %c0_i32 : i32, i32
  }
  func.func @transform_1(%arg0: i32) -> (i32, i32) {
    %c0_i32 = arith.constant 0 : i32
    %c0_i32_0 = arith.constant 0 : i32
    return %arg0, %c0_i32 : i32, i32
  }
  func.func @transform_2(%arg0: i32) -> (i32, i32) {
    %c0_i32 = arith.constant 0 : i32
    %c0_i32_0 = arith.constant 0 : i32
    %c0_i32_1 = arith.constant 0 : i32
    return %c0_i32, %c0_i32_0 : i32, i32
  }
  func.func @transform_3(%arg0: i32) -> (i32, i32) {
    %c0_i32 = arith.constant 0 : i32
    %c0_i32_0 = arith.constant 0 : i32
    %c0_i32_1 = arith.constant 0 : i32
    return %c0_i32, %c0_i32_0 : i32, i32
  }
  func.func @transform_4(%arg0: i32) -> (i32, i32) {
    %c0_i32 = arith.constant 0 : i32
    %c0_i32_0 = arith.constant 0 : i32
    return %arg0, %c0_i32 : i32, i32
  }
}

</mosaic_0001>

<sc_bundles>
// kernel: kernel.4.cloned.1.call-start
scs
__scs_entry_jumppad:
0x0: {  	(pc) =	sbr.rel $0x88, $3  }
0x1: {  	(tag) =	ssettag $0x0;
	lr =	simm.s32 $0x1  }
0x2: {  	[smem:$0x3F9C] =	sst lr;
	_ =	strace $0xD0000000  }
0x3: {  	_ = 	snop  }
0x4: {  	_ = 	snop  }
0x5: {  	_ = 	snop  }
0x6: {  	_ = 	snop  }
0x7: {  	_ = 	snop  }
__scs_overlays_trampoline_lowered:
0x8: {  	[smem:$0x3FAB] =	sst s0  }
0x9: {  	[smem:$0x3FAC] =	sst s1  }
0xa: {  	[smem:$0x3FAD] =	sst s2  }
0xb: {  	[smem:$0x3FAE] =	sst s3  }
0xc: {  	[smem:$0x3FAF] =	sst s4  }
0xd: {  	[smem:$0x3FB0] =	sst s5  }
0xe: {  	[smem:$0x3FB1] =	sst s6  }
0xf: {  	[smem:$0x3FB2] =	sst s7  }
0x10: {  	[smem:$0x3FB3] =	sst s8  }
0x11: {  	[smem:$0x3FB4] =	sst s9;
	s0 =	simm.s32 @!p0 $0x0  }
0x12: {  	s1 =	sld [smem:$0x3F9A];
	s0 =	simm.s32 @p0 $0x1  }
0x13: {  	[smem:$0x3FB5] =	sst s0;
	s0 =	simm.s32 @!p1 $0x0  }
0x14: {  	s2 =	sld [smem:$0x3F99];
	s0 =	simm.s32 @p1 $0x1  }
0x15: {  	[smem:$0x3FB6] =	sst s0;
	s0 =	simm.s32 @!p2 $0x0  }
0x16: {  	s3 =	sld [smem:$0x3FDB];
	s0 =	simm.s32 @p2 $0x1  }
0x17: {  	s4 =	simm.s32 $0x1BF5;
	[smem:$0x3FB8] =	sst s0  }
0x18: {  	s0 =	sld [smem:$0x3F9B];
	_ =	swait.ge [sflag:s4], $0x0  }
0x19: {  	s7 =	sld [smem:$0x3F9C]  }
0x1a: {  	s8 =	sadd.s32 $0xFFFFE003, lr  }
0x1b: {  	s9 =	sadd.s32 $0xFFFFFEF7, lr;
	s5 =	simm.s32 $0xFFFFFFFF;
	p2 =	slt.u32 s8, $0xFFFFF086  }
0x1c: {  	p1 =	slt.u32 s9, $0xF7A;
	s5 =	simm.s32 @!p2 $0x0  }
0x1d: {  	s5 =	simm.s32 @p1 $0x1;
	p0 =	seq.s32 s7, s2  }
0x1e: {  	s7 =	smul.u32 @!p0 $0xF7A, s2;
	p2 =	seq.s32 @!p0 s5, $0x0  }
0x1f: {  	s9 =	smul.u32 $0xF7A, s1;
	s8 =	simm.s32 @!p0 $0x1BF5;
	p2 =	por !p2, p0  }
0x20: {  	[sflag:s8] =	ssyncset.s32 @!p0 $0xFFFFF086;
	s6 =	sadd.s32 @!p0 s3, s7;
	s7 =	simm.s32 @!p0 $0x108  }
0x21: {  	s3 =	sadd.s32 s3, s9;
	s6 =	sadd.s32 @!p0 $0x88, s6;
	s7 =	simm.s32 @p2 $0x1082  }
0x22: {  	[simem:s7], [sflag:s8] =	dma.local @!p0 [hbm:s6], $0xF7A  }
0x23: {  	s9 =	sor.u32 $0xD0000000, s2;
	s6 =	simm.s32 $0x108;
	_ =	swait.ge @!p0 [sflag:s8], $0x0  }
0x24: {  	s3 =	sadd.s32 $0x88, s3;
	s6 =	simm.s32 @!p1 $0x1082;
	[sflag:s4] =	ssyncset.s32 $0xFFFFF086  }
0x25: {  	[simem:s6], [sflag:s4] =	dma.local [hbm:s3], $0xF7A  }
0x26: {  	[smem:$0x3F9C] =	sst s1;
	(tag) =	ssettag s2;
	_ =	strace s9  }
0x27: {  	s1 =	sld [smem:$0x3FAC]  }
0x28: {  	s2 =	sld [smem:$0x3FAD]  }
0x29: {  	s4 =	sld [smem:$0x3FAF]  }
0x2a: {  	p0 =	seq.s32 s5, $0x0;
	s5 =	sld [smem:$0x3FB0]  }
0x2b: {  	s6 =	sld [smem:$0x3FB1]  }
0x2c: {  	s7 =	sld [smem:$0x3FB2]  }
0x2d: {  	s3 =	simm.s32 $0x108;
	s8 =	sld [smem:$0x3FB3]  }
0x2e: {  	s3 =	simm.s32 @!p0 $0x1082;
	s9 =	sld [smem:$0x3FB4]  }
0x2f: {  	lr =	sadd.s32 s0, s3;
	s0 =	sld [smem:$0x3FAB]  }
0x30: {  	s3 =	sld [smem:$0x3FAE]  }
0x31: {  	[smem:$0x3FB7] =	sst s10  }
0x32: {  	s10 =	sld [smem:$0x3FB5];
	_ =	sdelay $0x3  }
0x33: {  	p0 =	seq.s32 s10, $0x1;
	s10 =	sld [smem:$0x3FB7];
	_ =	sdelay $0x3  }
0x34: {  	[smem:$0x3FB7] =	sst s10  }
0x35: {  	s10 =	sld [smem:$0x3FB6];
	_ =	sdelay $0x3  }
0x36: {  	p1 =	seq.s32 s10, $0x1;
	s10 =	sld [smem:$0x3FB7];
	_ =	sdelay $0x3  }
0x37: {  	[smem:$0x3FB7] =	sst s10  }
0x38: {  	s10 =	sld [smem:$0x3FB8]  }
0x39: {  	_ = 	snop;
	(pc) =	sbr.ind lr, $3  }
0x3a: {  	_ = 	snop  }
0x3b: {  	_ = 	snop  }
0x3c: {  	p2 =	seq.s32 s10, $0x1;
	s10 =	sld [smem:$0x3FB7]  }
0x3d: {  	_ =	shalt  }
0x3e: {  	_ =	shalt  }
0x3f: {  	_ =	shalt  }
0x40: {  	_ =	shalt  }
0x41: {  	_ =	shalt  }
0x42: {  	_ =	shalt  }
0x43: {  	_ =	shalt  }
0x44: {  	_ =	shalt  }
0x45: {  	_ =	shalt  }
0x46: {  	_ =	shalt  }
0x47: {  	_ =	shalt  }
0x48: {  	_ =	shalt  }
0x49: {  	_ =	shalt  }
0x4a: {  	_ =	shalt  }
0x4b: {  	_ =	shalt  }
0x4c: {  	_ =	shalt  }
0x4d: {  	_ =	shalt  }
0x4e: {  	_ =	shalt  }
0x4f: {  	_ =	shalt  }
0x50: {  	_ =	shalt  }
0x51: {  	_ =	shalt  }
0x52: {  	_ =	shalt  }
0x53: {  	_ =	shalt  }
0x54: {  	_ =	shalt  }
0x55: {  	_ =	shalt  }
0x56: {  	_ =	shalt  }
0x57: {  	_ =	shalt  }
0x58: {  	_ =	shalt  }
0x59: {  	_ =	shalt  }
0x5a: {  	_ =	shalt  }
0x5b: {  	_ =	shalt  }
0x5c: {  	_ =	shalt  }
0x5d: {  	_ =	shalt  }
0x5e: {  	_ =	shalt  }
0x5f: {  	_ =	shalt  }
0x60: {  	_ =	shalt  }
0x61: {  	_ =	shalt  }
0x62: {  	_ =	shalt  }
0x63: {  	_ =	shalt  }
0x64: {  	_ =	shalt  }
0x65: {  	_ =	shalt  }
0x66: {  	_ =	shalt  }
0x67: {  	_ =	shalt  }
0x68: {  	_ =	shalt  }
0x69: {  	_ =	shalt  }
0x6a: {  	_ =	shalt  }
0x6b: {  	_ =	shalt  }
0x6c: {  	_ =	shalt  }
0x6d: {  	_ =	shalt  }
0x6e: {  	_ =	shalt  }
0x6f: {  	_ =	shalt  }
0x70: {  	_ =	shalt  }
0x71: {  	_ =	shalt  }
0x72: {  	_ =	shalt  }
0x73: {  	_ =	shalt  }
0x74: {  	_ =	shalt  }
0x75: {  	_ =	shalt  }
0x76: {  	_ =	shalt  }
0x77: {  	_ =	shalt  }
0x78: {  	_ =	shalt  }
0x79: {  	_ =	shalt  }
0x7a: {  	_ =	shalt  }
0x7b: {  	_ =	shalt  }
0x7c: {  	_ =	shalt  }
0x7d: {  	_ =	shalt  }
0x7e: {  	_ =	shalt  }
0x7f: {  	_ =	shalt  }
0x80: {  	_ =	shalt  }
0x81: {  	_ =	shalt  }
0x82: {  	_ =	shalt  }
0x83: {  	_ =	shalt  }
0x84: {  	_ =	shalt  }
0x85: {  	_ =	shalt  }
0x86: {  	_ =	shalt  }
0x87: {  	_ =	shalt  }
.Lfunc_end0:
.L_simem_size_0:
called_computation_lowered:
.L_overlay_start_0:
0x88: {  	s2 =	sld [smem:$0x3FD9]  }
0x89: {  	s3 =	sld [smem:$0x3FFE];
	_ =	sdelay $0x1  }
0x8a: {  	s1 =	srdreg.scid  }
0x8b: {  	s0 =	sand.u32 $0x1, s1  }
0x8c: {  	s15 =	sshll.u32 s0, $0xA;
	s2 =	sadd.s32 s3, s2  }
0x8d: {  	s2 =	sadd.s32 s2, s15  }
0x8e: {  	[smem:$0x3FC3] =	sst s2  }
0x8f: {  	_ = 	snop  }
0x90: {  	s2 =	sld [smem:$0x3FD0];
	_ =	sdelay $0x2  }
0x91: {  	s4 =	simm.s32 $0xA;
	s5 =	simm.s32 $0x10;
	s16 =	sld [smem:$0x3FC8]  }
0x92: {  	[smem:s5], [sflag:s4] =	dma.local [hbm:s2], $0x1  }
0x93: {  	_ =	swait.eq [sflag:s4], $0x1  }
0x94: {  	[sflag:s4] =	ssyncset.done $0x0  }
0x95: {  	[sflag:s4] =	ssyncadd.s32 $0xFFFFFFFF  }
0x96: {  	s17 =	sld [smem:$0x10];
	(tm) =	ssettm $0x1  }
0x97: {  	s18 =	sld [smem:$0x3FFB];
	_ =	sdelay $0x3  }
0x98: {  	_ =	strace s18  }
0x99: {  	s4 =	sld [smem:$0x3FFC];
	_ =	sdelay $0x3  }
0x9a: {  	_ =	strace s4  }
0x9b: {  	s4 =	sld [smem:$0x3FFD];
	_ =	sdelay $0x3  }
0x9c: {  	_ =	strace s4  }
0x9d: {  	_ =	strace $0x8FFFFFFF  }
0x9e: {  	s19 =	sld [smem:$0x3FDB];
	_ =	sdelay $0x1  }
0x9f: {  	s20 =	simm.s32 $_scs_section_size  }
0xa0: {  	s6 =	simm.s32 $_size__tile_overlayer_lowered;
	s7 =	simm.s32 $_tile_overlayer_lowered  }
0xa1: {  	s23 =	simm.s32 $0x1BFF;
	s22 =	sshll.u32 s7, $0x1;
	s4 =	sadd.s32 s20, s19  }
0xa2: {  	s8 =	simm.s32 $0x0;
	s21 =	sshll.u32 s6, $0x1;
	s6 =	sadd.s32 s22, s4  }
0xa3: {  	[timem:s8], [sflag:s23] =	dma.local [hbm:s6], s21  }
0xa4: {  	_ =	swait.ge [sflag:s23], s21  }
0xa5: {  	s5 =	ssub.s32 $0x0, s21;
	[sflag:s23] =	ssyncset.done $0x0  }
0xa6: {  	[sflag:s23] =	ssyncadd.s32 s5;
	_ =	sdelay $0x1  }
0xa7: {  	s24 =	simm.s32 $0x1B8B  }
0xa8: {  	_ =	swait.ge [sflag:s24], $0x1  }
0xa9: {  	[sflag:s24] =	ssyncset.done $0x0  }
0xaa: {  	s25 =	simm.s32 $0x1B8E;
	[sflag:s24] =	ssyncadd.s32 $0xFFFFFFFF  }
0xab: {  	s26 =	simm.s32 $execute0_lowered;
	[smem:$0x3FD2] =	sst s25  }
0xac: {  	s5 =	sshll.u32 s26, $0x1;
	_ =	strace $0x80000046;
	[dreg:$0x1] =	wrdreg $0xFFFFFFFF  }
0xad: {  	s28 =	simm.s32 $_size_execute0_lowered;
	s4 =	sadd.s32 s4, s5;
	[dreg:$0x0] =	wrdreg $0x0  }
0xae: {  	s5 =	sshll.u32 s28, $0x1;
	[dreg:$0x2] =	wrdreg s4  }
0xaf: {  	[dreg:$0x3] =	wrdreg s5  }
0xb0: {  	[dreg:$0x4] =	wrdreg $0xC0  }
0xb1: {  	_ =	task [dreg:s8], $0x5FFFF  }
0xb2: {  	[dreg:$0x1] =	wrdreg $0xFFFFFFFF  }
0xb3: {  	[dreg:$0x0] =	wrdreg $0x60  }
0xb4: {  	[dreg:$0x2] =	wrdreg s16  }
0xb5: {  	[dreg:$0x3] =	wrdreg s17  }
0xb6: {  	[dreg:$0x4] =	wrdreg $0x9  }
0xb7: {  	_ =	task.clear_ibuf [dreg:s8], $0x5FFFF;
	_ =	strace $0x90000046  }
0xb8: {  	s29 =	simm.s32 $0x9;
	_ =	strace $0x80000048  }
0xb9: {  	_ =	swait.ge [sflag:s29], $0x1  }
0xba: {  	[sflag:s29] =	ssyncadd.s32 $0xFFFFFFFF  }
0xbb: {  	_ =	strace $0x90000048  }
0xbc: {  	_ =	sfence  }
0xbd: {  	s30 =	sld [smem:$0x0];
	_ =	sdelay $0x2  }
0xbe: {  	s31 =	sshll.u32 s1, $0xD;
	s1 =	sshrl.u32 s1, $0x2  }
0xbf: {  	s3 =	sand.u32 $0x4000, s31;
	s1 =	sadd.s32 s1, s30  }
0xc0: {  	s0 =	sor.u32 s3, s0;
	s1 =	sshll.u32 s1, $0x11  }
0xc1: {  	s0 =	sor.u32 s1, s0  }
0xc2: {  	s0 =	sadd.s32 $0x8F2B, s0  }
0xc3: {  	[sflag:s0] =	ssyncadd.remote.s32 $0x1  }
0xc4: {  	_ =	sfence.sel $0xFFFF  }
0xc5: {  	[dreg:$0x0] =	wrdreg $0xFFFFFFFF;
	(pc) =	sbr.abs _section_cstart, $3  }
0xc6: {  	[dreg:$0x1] =	wrdreg $0xFFFFFFFF  }
0xc7: {  	_ =	task.clear_ibuf [dreg:s8], $0x2FFFF;
	_ =	strace $0x9FFFFFFF  }
0xc8: {  	(tm) =	ssettm $0x7FFFFFFF  }
0xc9: {  	_ =	shalt  }
tec
execute0_lowered:
.L_overlay_start_1:
0x0: {  	(tag) =	ssettag $0x1  }
0x1: {  	s1 =	rddreg [dreg:$0x0]  }
0x2: {  	s0 =	srdreg.scid;
	s2 =	rddreg [dreg:$0x1]  }
0x3: {  	s4 =	simm.s32 $0x0;
	s6 =	sand.u32 $0x1, s0;
	s0 =	rddreg [dreg:$0x2]  }
0x4: {  	s3 =	stileid.u32;
	[smem:$0x7FF] =	sst s4;
	s5 =	ssub.s32 $0x2, s6  }
0x5: {  	s8 =	smul.u32 $0x19000, s3;
	p0 =	slt.u32 s3, $0xA;
	s7 =	sshrl.u32 s5, $0x1  }
0x6: {  	s9 =	smul.u32 $0xC800, s6;
	s7 =	ssub.s32 s5, s7;
	s5 =	simm.s32 $0x10  }
0x7: {  	_ =	strace $0x80000047;
	s5 =	simm.s32 @!p0 $0xF;
	s6 =	smax.u32 s7, $0x1  }
0x8: {  	s7 =	sadd.s32 s9, s8;
	s8 =	simm.s32 $0x1;
	s9 =	simm.s32 $0x0  }
.LBB2_1:
0x9: {  	p1 =	sne.s32 s5, $0x1  }
.Ltmp0:
0xa: {  	_ = 	snop;
	(pc) =	sbr.rel @!p1 .LBB2_4-.Ltmp0, $2  }
0xb: {  	_ =	sdelay $0x2  }
0xc: {  	s11 =	sadd.s32 $0xFFFFFFFF, s5;
	s10 =	sshrl.u32 s7, $0x3;
	p0 =	por $0x0, $0x0  }
0xd: {  	s12 =	sadd.s32 s1, s10  }
0xe: {  	[tilespmem:s4], [sflag:$0x1] =	stream.linear.gather [hbm4b:s12+s4], $0xC800, $0x38;
	[tilespmem:$0xC800] =	vst v63  }
0xf: {  	p1 =	sne.s32 s11, $0x1;
	_ =	swait.ge [sflag:s8], $0xC800  }
.Ltmp1:
0x10: {  	[sflag:s8] =	ssyncset.done $0x0;
	(pc) =	sbr.rel @!p1 .LBB2_4-.Ltmp1, $4  }
0x11: {  	s31 =	sadd.s32 s2, s10;
	[sflag:s8] =	ssyncadd.s32 $0xFFFF3800  }
0x12: {  	[hbm4b:s31+s4] =	stream.linear.scatter [tilespmem:s4], [sflag:$0x1], $0xC800, $0x38;
	[tilespmem:$0xC800] =	vst v63  }
0x13: {  	s11 =	sadd.s32 $0xFFFFFFFF, s11;
	s12 =	sadd.s32 $0x190000, s7;
	_ =	swait.ge [sflag:s8], $0xC800  }
0x14: {  	p0 =	por $0x1, $0x1;
	s10 =	sshrl.u32 s12, $0x3;
	[sflag:s8] =	ssyncset.done $0x0  }
.LBB2_3:
0x15: {  	p1 =	sne.s32 s11, $0x1;
	s13 =	sadd.s32 s1, s10;
	[sflag:s8] =	ssyncadd.s32 $0xFFFF3800  }
0x16: {  	[tilespmem:s4], [sflag:$0x1] =	stream.linear.gather [hbm4b:s13+s4], $0xC800, $0x38;
	[tilespmem:$0xC800] =	vst v63  }
0x17: {  	s11 =	sadd.s32 $0xFFFFFFFF, s11;
	_ =	swait.ge [sflag:s8], $0xC800  }
.Ltmp2:
0x18: {  	[sflag:s8] =	ssyncset.done $0x0;
	(pc) =	sbr.rel @p1 .LBB2_3-.Ltmp2, $4  }
0x19: {  	s10 =	sadd.s32 s2, s10;
	[sflag:s8] =	ssyncadd.s32 $0xFFFF3800  }
0x1a: {  	[hbm4b:s10+s4] =	stream.linear.scatter [tilespmem:s4], [sflag:$0x1], $0xC800, $0x38;
	[tilespmem:$0xC800] =	vst v63  }
0x1b: {  	s12 =	sadd.s32 $0x190000, s12;
	_ =	swait.ge [sflag:s8], $0xC800  }
0x1c: {  	s10 =	sshrl.u32 s12, $0x3;
	[sflag:s8] =	ssyncset.done $0x0  }
.LBB2_4:
0x1d: {  	s11 =	sadd.s32 s1, s10;
	[sflag:s8] =	ssyncadd.s32 @p0 $0xFFFF3800  }
0x1e: {  	[tilespmem:s4], [sflag:$0x1] =	stream.linear.gather [hbm4b:s11+s4], $0xC800, $0x38;
	[tilespmem:$0xC800] =	vst v63  }
0x1f: {  	s9 =	sadd.s32 $0x1, s9;
	_ =	swait.ge [sflag:s8], $0xC800  }
0x20: {  	p0 =	sne.s32 s9, s6;
	[sflag:s8] =	ssyncset.done $0x0  }
.Ltmp3:
0x21: {  	s31 =	sadd.s32 s2, s10;
	[sflag:s8] =	ssyncadd.s32 $0xFFFF3800;
	(pc) =	sbr.rel @p0 .LBB2_1-.Ltmp3, $4  }
0x22: {  	[hbm4b:s31+s4] =	stream.linear.scatter [tilespmem:s4], [sflag:$0x1], $0xC800, $0x38;
	[tilespmem:$0xC800] =	vst v63  }
0x23: {  	_ =	swait.ge [sflag:s8], $0xC800  }
0x24: {  	[sflag:s8] =	ssyncset.done $0x0  }
0x25: {  	[sflag:s8] =	ssyncadd.s32 $0xFFFF3800  }
0x26: {  	_ =	sfence.sel $0x180000  }
0x27: {  	[bflag:$0x0] =	sbarrier.arrive $0xFFFF  }
0x28: {  	p0 =	sne.s32 s3, $0x0;
	_ =	strace $0x90000047  }
0x29: {  	s0 =	sadd.s32 @!p0 $0x100000, s0;
	[bflag:$0x2] =	sbarrier.arrive $0xFFFF  }
0x2a: {  	[sflag:s0] =	ssyncadd.tile.s32 @!p0 $0x1;
	_ =	shalt  }
.Lfunc_end2:
_tile_overlayer_lowered:
.L_overlay_start_2:
0x2b: {  	(tag) =	ssettag $0x2  }
0x2c: {  	s0 =	rddreg [dreg:$0x0];
	s2 =	stileid.u32  }
0x2d: {  	s1 =	rddreg [dreg:$0x1];
	p0 =	sne.s32 s2, $0x0  }
0x2e: {  	s3 =	rddreg [dreg:$0x2];
	[bflag:$0x3] =	sbarrier.arrive $0xFFFF;
	s2 =	simm.s32 @!p0 $0x1C01  }
0x2f: {  	[timem:s3], [sflag:s2] =	dma.local @!p0 [hbm:s0], s1  }
0x30: {  	s0 =	simm.s32 @!p0 $0x1  }
0x31: {  	_ =	swait.ge @!p0 [sflag:s0], s1  }
0x32: {  	s1 =	ssub.s32 @!p0 $0x0, s1;
	[sflag:s0] =	ssyncset.done @!p0 $0x0  }
0x33: {  	[sflag:s0] =	ssyncadd.s32 @!p0 s1  }
0x34: {  	[bflag:$0x3] =	sbarrier.arrive $0xFFFF  }
0x35: {  	_ =	shalt  }

</sc_bundles>
